<compile_context>
chip_gen: v7x
topology: tpu7x:2x2x1
jax: 0.10.2.dev20260603
libtpu: 0.0.44.dev20260713+nightly
codegen_flags: <defaults>
</compile_context>

<pallas_src>
import functools

import jax
import jax.numpy as jnp
from jax import lax
from jax.experimental import pallas as pl
from jax.experimental.pallas import tpu as pltpu
from jax.experimental.pallas import tpu_sc as plsc


def _fm_tc_kernel(x0_ref, dataq_ref, data_ref, t_ref, cm_ref,
                  out_ref, idx_ref, *, S, D):
    b = pl.program_id(0)
    x0 = x0_ref[0]
    data_q = dataq_ref[0]
    data = data_ref[0]
    t = t_ref[0, 0, 0]
    cm = cm_ref[...]

    QB = x0.shape[0]

    x0c = jnp.where(cm > 0.5, data_q, x0)

    dn = jnp.sum(data * data, axis=1, keepdims=True)
    yaug = jnp.concatenate([data, dn], axis=1)
    xaug = jnp.concatenate(
        [-2.0 * x0c, jnp.ones((QB, 1), jnp.float32)], axis=1)
    scores = jax.lax.dot_general(
        xaug, yaug, (((1,), (1,)), ((), ())),
        preferred_element_type=jnp.float32,
        precision=jax.lax.Precision.HIGHEST)

    idx = jnp.argmin(scores, axis=-1).reshape(QB, 1)
    idx_ref[0] = (idx + b * S).T

    xt = t * data_q + (1.0 - t) * x0c
    xt = jnp.where(cm > 0.5, data_q, xt)
    ut = data_q - x0c
    out_ref[0] = jnp.concatenate([xt, ut], axis=-1)


def _gather_sc_kernel(table_hbm, idx_hbm, out_hbm, idx_v, rows_v, sem,
                      *, b_per_w, NC, w_per_b):
    wid = lax.axis_index("s") * NC + lax.axis_index("c")
    bb = wid // w_per_b
    col = (wid % w_per_b) * b_per_w
    pltpu.sync_copy(idx_hbm.at[bb, 0, pl.ds(col, b_per_w)], idx_v)
    pltpu.async_copy(table_hbm.at[idx_v], rows_v, sem).wait()
    pltpu.sync_copy(rows_v, out_hbm.at[pl.ds(wid * b_per_w, b_per_w)])


def kernel(x0, data, t, condition_mask):
    B, S, D = x0.shape
    QB = 1024
    cmf = condition_mask.astype(jnp.float32).reshape(1, D)
    t3 = t.reshape(B, 1, 1)

    grid = (B, S // QB)
    xtut, idxg = pl.pallas_call(
        functools.partial(_fm_tc_kernel, S=S, D=D),
        grid=grid,
        in_specs=[
            pl.BlockSpec((1, QB, D), lambda b, q: (b, q, 0)),
            pl.BlockSpec((1, QB, D), lambda b, q: (b, q, 0)),
            pl.BlockSpec((1, S, D), lambda b, q: (b, 0, 0)),
            pl.BlockSpec((1, 1, 1), lambda b, q: (b, 0, 0)),
            pl.BlockSpec((1, D), lambda b, q: (0, 0)),
        ],
        out_specs=[
            pl.BlockSpec((1, QB, 2 * D), lambda b, q: (b, q, 0)),
            pl.BlockSpec((1, 1, QB), lambda b, q: (b, 0, q)),
        ],
        out_shape=[
            jax.ShapeDtypeStruct((B, S, 2 * D), jnp.float32),
            jax.ShapeDtypeStruct((B, 1, S), jnp.int32),
        ],
    )(x0, data, data, t3, cmf)

    N = B * S
    info = plsc.get_sparse_core_info()
    NC, NS = info.num_cores, info.num_subcores
    NW = NC * NS
    b_per_w = N // NW
    mesh = plsc.VectorSubcoreMesh(core_axis_name="c", subcore_axis_name="s")

    gather = functools.partial(
        pl.kernel,
        mesh=mesh,
        compiler_params=pltpu.CompilerParams(use_tc_tiling_on_sc=False),
        out_type=jax.ShapeDtypeStruct((N, D), jnp.float32),
        scratch_types=[
            pltpu.VMEM((b_per_w,), jnp.int32),
            pltpu.VMEM((b_per_w, D), jnp.float32),
            pltpu.SemaphoreType.DMA,
        ],
    )(functools.partial(_gather_sc_kernel, b_per_w=b_per_w, NC=NC,
                        w_per_b=NW // B))

    nearest = gather(data.reshape(N, D), idxg)
    return jnp.concatenate([xtut, nearest.reshape(B, S, D)], axis=-1)

# --- scband reference (transcript-rebuilt; emitter-appended) ---
"""Pipeline reference for scband-flow-matching-31044023615894 (READ-ONLY COPY).

The authoritative reference and input builder live on the scoring server;
editing this copy changes nothing except your own understanding.
"""

import jax, jax.numpy as jnp
import numpy as np


def setup_inputs(seed: int = 0) -> dict:
    key = jax.random.key(seed)
    k1, k2, k3 = jax.random.split(key, 3)
    B, S, D = 4, 2048, 16
    x0 = jax.random.normal(k1, (B, S, D), dtype=jnp.float32)
    data = jax.random.normal(k2, (B, S, D), dtype=jnp.float32)
    t = jax.random.uniform(k3, (B,), dtype=jnp.float32)
    # condition_mask buffer from init_kwargs: first 4 of 16 feature dims are conditioned
    condition_mask = jnp.array([True] * 4 + [False] * 12)
    return {"x0": x0, "data": data, "t": t, "condition_mask": condition_mask}


def reference(x0, data, t, condition_mask):
    # x0[..., condition_mask] = data[..., condition_mask]
    cm = condition_mask
    x0c = jnp.where(cm, data, x0)
    # 1-NN retrieval core: pairwise L2 distance between noise samples and data samples
    diff = x0c[:, :, None, :] - data[:, None, :, :]  # [B, S, S, D]
    min_dist = jnp.sqrt(jnp.sum(diff * diff, axis=-1) + 1e-12)  # [B, S, S]
    idx = jnp.argmin(min_dist, axis=-1)  # [B, S] nearest data index per noise row
    # ConditionalFlowMatcher (sigma=0): xt = t*x1 + (1-t)*x0, ut = x1 - x0
    tb = t[:, None, None]
    xt = tb * data + (1.0 - tb) * x0c
    ut = data - x0c
    # xt[..., condition_mask] = data[..., condition_mask]
    xt = jnp.where(cm, data, xt)
    # gather the retrieved nearest-neighbor data rows (knn assignment output)
    nearest = jnp.take_along_axis(data, idx[:, :, None], axis=1)  # [B, S, D]
    return jnp.concatenate([xt, ut, nearest], axis=-1)  # [B, S, 3*D]

if __name__ == "__main__":
    import jax
    _d = setup_inputs()
    print(jax.jit(kernel)(*tuple(_d.values())))

</pallas_src>

<mosaic_0001>
#map = affine_map<(d0, d1) -> (0, 0)>
#map1 = affine_map<(d0, d1) -> (0, 0, 0)>
module attributes {stable_mosaic.version = 14 : i64} {
  func.func @_gather_sc_kernel(%arg0: i32, %arg1: i32, %arg2: memref<8192x16xf32, #tpu.memory_space<hbm>>, %arg3: memref<4x1x2048xi32, #tpu.memory_space<hbm>>, %arg4: memref<8192x16xf32, #tpu.memory_space<hbm>>, %arg5: memref<256xi32, #tpu.memory_space<vmem>>, %arg6: memref<256x16xf32, #tpu.memory_space<vmem>>, %arg7: memref<!tpu.dma_semaphore, #tpu.memory_space<semaphore_mem>>) attributes {dimension_semantics = [#tpu.dimension_semantics<core_parallel>, #tpu.dimension_semantics<subcore_parallel>], iteration_bounds = array<i64: 2, 16>, scalar_prefetch = 0 : i64, scratch_operands = 3 : i64, tpu.core_type = #tpu.core_type<sc_vector_subcore>, window_params = [{transform_indices = #map}, {transform_indices = #map1}, {transform_indices = #map}]} {
    %mul3A = arith.constant 2 : i32
    %mul3A_0 = arith.muli %arg1, %mul3A : i32
    %add3A = arith.addi %mul3A_0, %arg0 : i32
    %jit3A = arith.constant 8 : i32
    %div3A = arith.divsi %add3A, %jit3A : i32
    %sign3A = arith.constant 0 : i32
    %sign3A_1 = arith.cmpi sgt, %add3A, %sign3A : i32
    %sign3A_2 = arith.extui %sign3A_1 : i1 to i32
    %sign3A_3 = arith.constant 0 : i32
    %sign3A_4 = arith.cmpi slt, %add3A, %sign3A_3 : i32
    %sign3A_5 = arith.extui %sign3A_4 : i1 to i32
    %sign3A_6 = arith.subi %sign3A_2, %sign3A_5 : i32
    %sign3A_7 = arith.constant 0 : i32
    %sign3A_8 = arith.cmpi sgt, %jit3A, %sign3A_7 : i32
    %sign3A_9 = arith.extui %sign3A_8 : i1 to i32
    %sign3A_10 = arith.constant 0 : i32
    %sign3A_11 = arith.cmpi slt, %jit3A, %sign3A_10 : i32
    %sign3A_12 = arith.extui %sign3A_11 : i1 to i32
    %sign3A_13 = arith.subi %sign3A_9, %sign3A_12 : i32
    %ne3A = arith.cmpi ne, %sign3A_6, %sign3A_13 : i32
    %rem3A = arith.remsi %add3A, %jit3A : i32
    %ne3A_14 = arith.constant 0 : i32
    %ne3A_15 = arith.cmpi ne, %rem3A, %ne3A_14 : i32
    %and3A = arith.andi %ne3A, %ne3A_15 : i1
    %sub3A = arith.constant 1 : i32
    %sub3A_16 = arith.subi %div3A, %sub3A : i32
    %select_n3A = arith.select %and3A, %sub3A_16, %div3A : i32
    %jit3A_17 = arith.constant 8 : i32
    %eq3A = arith.constant 0 : i32
    %eq3A_18 = arith.cmpi eq, %jit3A_17, %eq3A : i32
    %jit3A_19 = arith.constant 1 : i32
    %select_n3A_20 = arith.select %eq3A_18, %jit3A_19, %jit3A_17 : i32
    %rem3A_21 = arith.remsi %add3A, %select_n3A_20 : i32
    %ne3A_22 = arith.constant 0 : i32
    %ne3A_23 = arith.cmpi ne, %rem3A_21, %ne3A_22 : i32
    %lt3A = arith.constant 0 : i32
    %lt3A_24 = arith.cmpi slt, %rem3A_21, %lt3A : i32
    %lt3A_25 = arith.constant 0 : i32
    %lt3A_26 = arith.cmpi slt, %select_n3A_20, %lt3A_25 : i32
    %ne3A_27 = arith.xori %lt3A_24, %lt3A_26 : i1
    %and3A_28 = arith.andi %ne3A_27, %ne3A_23 : i1
    %add3A_29 = arith.addi %rem3A_21, %select_n3A_20 : i32
    %select_n3A_30 = arith.select %and3A_28, %add3A_29, %rem3A_21 : i32
    %mul3A_31 = arith.constant 256 : i32
    %mul3A_32 = arith.muli %select_n3A_30, %mul3A_31 : i32
    %run_scoped3A = arith.constant 0 : i32
    "tpu.region"() ({
      %run_scoped3A_39 = tpu.sem_alloc : memref<!tpu.dma_semaphore, #tpu.memory_space<semaphore_mem>>
      %dma_start3A_40 = tpu.memref_slice %arg3[%select_n3A, %run_scoped3A, %mul3A_32] : memref<4x1x2048xi32, #tpu.memory_space<hbm>> -> memref<1x1x256xi32, #tpu.memory_space<hbm>>
      %dma_start3A_41 = tpu.memref_squeeze %dma_start3A_40 : memref<1x1x256xi32, #tpu.memory_space<hbm>> -> memref<256xi32, #tpu.memory_space<hbm>>
      %dma_start3A_42 = tpu.memref_slice %arg3[%select_n3A, %run_scoped3A, %mul3A_32] : memref<4x1x2048xi32, #tpu.memory_space<hbm>> -> memref<1x1x256xi32, #tpu.memory_space<hbm>>
      %dma_start3A_43 = tpu.memref_squeeze %dma_start3A_42 : memref<1x1x256xi32, #tpu.memory_space<hbm>> -> memref<256xi32, #tpu.memory_space<hbm>>
      tpu.enqueue_dma source(%dma_start3A_43 : memref<256xi32, #tpu.memory_space<hbm>>) target(%arg5 : memref<256xi32, #tpu.memory_space<vmem>>) target_semaphore(%run_scoped3A_39 : memref<!tpu.dma_semaphore, #tpu.memory_space<semaphore_mem>>)
      %dma_wait3A_44 = tpu.memref_slice %arg3[%select_n3A, %run_scoped3A, %mul3A_32] : memref<4x1x2048xi32, #tpu.memory_space<hbm>> -> memref<1x1x256xi32, #tpu.memory_space<hbm>>
      %dma_wait3A_45 = tpu.memref_squeeze %dma_wait3A_44 : memref<1x1x256xi32, #tpu.memory_space<hbm>> -> memref<256xi32, #tpu.memory_space<hbm>>
      %dma_wait3A_46 = tpu.memref_slice %arg3[%select_n3A, %run_scoped3A, %mul3A_32] : memref<4x1x2048xi32, #tpu.memory_space<hbm>> -> memref<1x1x256xi32, #tpu.memory_space<hbm>>
      %dma_wait3A_47 = tpu.memref_squeeze %dma_wait3A_46 : memref<1x1x256xi32, #tpu.memory_space<hbm>> -> memref<256xi32, #tpu.memory_space<hbm>>
      tpu.wait_dma2 semaphore(%run_scoped3A_39 : memref<!tpu.dma_semaphore, #tpu.memory_space<semaphore_mem>>) src(%dma_wait3A_47 : memref<256xi32, #tpu.memory_space<hbm>>) dst(%arg5 : memref<256xi32, #tpu.memory_space<vmem>>)
      tpu.yield
    }) : () -> ()
    %dma_start3A = arith.constant 0 : i32
    %dma_start3A_33 = arith.constant 0 : i32
    %dma_start3A_34 = tpu.memref_slice %arg2[%dma_start3A, %dma_start3A_33] : memref<8192x16xf32, #tpu.memory_space<hbm>> -> memref<8192x16xf32, #tpu.memory_space<hbm>>
    tpu.enqueue_indirect_dma source(%dma_start3A_34 : memref<8192x16xf32, #tpu.memory_space<hbm>>) target(%arg6 : memref<256x16xf32, #tpu.memory_space<vmem>>) offsets(%arg5 : memref<256xi32, #tpu.memory_space<vmem>>) semaphore(%arg7 : memref<!tpu.dma_semaphore, #tpu.memory_space<semaphore_mem>>)
    %dma_wait3A = arith.constant 0 : i32
    %dma_wait3A_35 = arith.constant 0 : i32
    %dma_wait3A_36 = tpu.memref_slice %arg2[%dma_wait3A, %dma_wait3A_35] : memref<8192x16xf32, #tpu.memory_space<hbm>> -> memref<8192x16xf32, #tpu.memory_space<hbm>>
    tpu.wait_indirect_dma semaphore(%arg7 : memref<!tpu.dma_semaphore, #tpu.memory_space<semaphore_mem>>) src(%dma_wait3A_36 : memref<8192x16xf32, #tpu.memory_space<hbm>>) dst(%arg6 : memref<256x16xf32, #tpu.memory_space<vmem>>)
    %mul3A_37 = arith.constant 256 : i32
    %mul3A_38 = arith.muli %add3A, %mul3A_37 : i32
    "tpu.region"() ({
      %run_scoped3A_39 = tpu.sem_alloc : memref<!tpu.dma_semaphore, #tpu.memory_space<semaphore_mem>>
      %dma_start3A_40 = arith.constant 0 : i32
      %dma_start3A_41 = tpu.memref_slice %arg4[%mul3A_38, %dma_start3A_40] : memref<8192x16xf32, #tpu.memory_space<hbm>> -> memref<256x16xf32, #tpu.memory_space<hbm>>
      %dma_start3A_42 = arith.constant 0 : i32
      %dma_start3A_43 = tpu.memref_slice %arg4[%mul3A_38, %dma_start3A_42] : memref<8192x16xf32, #tpu.memory_space<hbm>> -> memref<256x16xf32, #tpu.memory_space<hbm>>
      tpu.enqueue_dma source(%arg6 : memref<256x16xf32, #tpu.memory_space<vmem>>) target(%dma_start3A_43 : memref<256x16xf32, #tpu.memory_space<hbm>>) target_semaphore(%run_scoped3A_39 : memref<!tpu.dma_semaphore, #tpu.memory_space<semaphore_mem>>)
      %dma_wait3A_44 = arith.constant 0 : i32
      %dma_wait3A_45 = tpu.memref_slice %arg4[%mul3A_38, %dma_wait3A_44] : memref<8192x16xf32, #tpu.memory_space<hbm>> -> memref<256x16xf32, #tpu.memory_space<hbm>>
      %dma_wait3A_46 = arith.constant 0 : i32
      %dma_wait3A_47 = tpu.memref_slice %arg4[%mul3A_38, %dma_wait3A_46] : memref<8192x16xf32, #tpu.memory_space<hbm>> -> memref<256x16xf32, #tpu.memory_space<hbm>>
      tpu.wait_dma2 semaphore(%run_scoped3A_39 : memref<!tpu.dma_semaphore, #tpu.memory_space<semaphore_mem>>) src(%arg6 : memref<256x16xf32, #tpu.memory_space<vmem>>) dst(%dma_wait3A_47 : memref<256x16xf32, #tpu.memory_space<hbm>>)
      tpu.yield
    }) : () -> ()
    return
  }
}

module attributes {stable_mosaic.version = 14 : i64} {
  func.func @_fm_tc_kernel(%arg0: i32, %arg1: i32, %arg2: memref<1x1024x16xf32, #tpu.memory_space<vmem>>, %arg3: memref<1x1024x16xf32, #tpu.memory_space<vmem>>, %arg4: memref<1x2048x16xf32, #tpu.memory_space<vmem>>, %arg5: memref<1x1x1xf32, #tpu.memory_space<vmem>>, %arg6: memref<1x16xf32, #tpu.memory_space<vmem>>, %arg7: memref<1x1024x32xf32, #tpu.memory_space<vmem>>, %arg8: memref<1x1x1024xi32, #tpu.memory_space<vmem>>) attributes {dimension_semantics = [#tpu.dimension_semantics<arbitrary>, #tpu.dimension_semantics<arbitrary>], iteration_bounds = array<i64: 4, 2>, scalar_prefetch = 0 : i64, scratch_operands = 0 : i64, tpu.core_type = #tpu.core_type<tc>, window_params = [{transform_indices = @transform_0, window_bounds = array<i64: 1, 1024, 16>}, {transform_indices = @transform_1, window_bounds = array<i64: 1, 1024, 16>}, {transform_indices = @transform_2, window_bounds = array<i64: 1, 2048, 16>}, {transform_indices = @transform_3, window_bounds = array<i64: 1, 1, 1>}, {pipeline_mode = #tpu.pipeline_mode<synchronous>, transform_indices = @transform_4, window_bounds = array<i64: 1, 16>}, {transform_indices = @transform_5, window_bounds = array<i64: 1, 1024, 32>}, {transform_indices = @transform_6, window_bounds = array<i64: 1, 1, 1024>}]} {
    %get3A = arith.constant 0 : index
    %get3A_0 = arith.constant 0 : index
    %get3A_1 = arith.constant 0 : index
    %get3A_2 = vector.load %arg2[%get3A, %get3A_0, %get3A_1] : memref<1x1024x16xf32, #tpu.memory_space<vmem>>, vector<1x1024x16xf32>
    %get3A_3 = vector.shape_cast %get3A_2 : vector<1x1024x16xf32> to vector<1024x16xf32>
    %get3A_4 = arith.constant 0 : index
    %get3A_5 = arith.constant 0 : index
    %get3A_6 = arith.constant 0 : index
    %get3A_7 = vector.load %arg3[%get3A_4, %get3A_5, %get3A_6] : memref<1x1024x16xf32, #tpu.memory_space<vmem>>, vector<1x1024x16xf32>
    %get3A_8 = vector.shape_cast %get3A_7 : vector<1x1024x16xf32> to vector<1024x16xf32>
    %get3A_9 = arith.constant 0 : index
    %get3A_10 = arith.constant 0 : index
    %get3A_11 = arith.constant 0 : index
    %get3A_12 = vector.load %arg4[%get3A_9, %get3A_10, %get3A_11] : memref<1x2048x16xf32, #tpu.memory_space<vmem>>, vector<1x2048x16xf32>
    %get3A_13 = vector.shape_cast %get3A_12 : vector<1x2048x16xf32> to vector<2048x16xf32>
    %get3A_14 = arith.constant 0 : index
    %get3A_15 = arith.constant 0 : index
    %get3A_16 = arith.constant 0 : index
    %get3A_17 = vector.load %arg5[%get3A_14, %get3A_15, %get3A_16] : memref<1x1x1xf32, #tpu.memory_space<vmem>>, vector<1x1x1xf32>
    %get3A_18 = vector.extract %get3A_17[0, 0, 0] : f32 from vector<1x1x1xf32>
    %get3A_19 = arith.constant 0 : index
    %get3A_20 = arith.constant 0 : index
    %get3A_21 = vector.load %arg6[%get3A_19, %get3A_20] : memref<1x16xf32, #tpu.memory_space<vmem>>, vector<1x16xf32>
    %gt3A = arith.constant 5.000000e-01 : f32
    %gt3A_22 = vector.broadcast %gt3A : f32 to vector<1x16xf32>
    %gt3A_23 = arith.cmpf ogt, %get3A_21, %gt3A_22 : vector<1x16xf32>
    %broadcast_in_dim3A = vector.shape_cast %gt3A_23 : vector<1x16xi1> to vector<1x16xi1>
    %broadcast_in_dim3A_24 = vector.broadcast %broadcast_in_dim3A : vector<1x16xi1> to vector<1024x16xi1>
    %select_n3A = arith.select %broadcast_in_dim3A_24, %get3A_8, %get3A_3 : vector<1024x16xi1>, vector<1024x16xf32>
    %mul3A = arith.mulf %get3A_13, %get3A_13 : vector<2048x16xf32>
    %reduce_sum3A = arith.constant dense<0.000000e+00> : vector<2048xf32>
    %reduce_sum3A_25 = vector.multi_reduction <add>, %mul3A, %reduce_sum3A [1] : vector<2048x16xf32> to vector<2048xf32>
    %broadcast_in_dim3A_26 = vector.shape_cast %reduce_sum3A_25 : vector<2048xf32> to vector<2048x1xf32>
    %concatenate3A = tpu.concatenate %get3A_13, %broadcast_in_dim3A_26 in 1 : vector<2048x16xf32>, vector<2048x1xf32> -> vector<2048x17xf32>
    %mul3A_27 = arith.constant -2.000000e+00 : f32
    %mul3A_28 = vector.broadcast %mul3A_27 : f32 to vector<1024x16xf32>
    %mul3A_29 = arith.mulf %mul3A_28, %select_n3A : vector<1024x16xf32>
    %broadcast_in_dim3A_30 = arith.constant 1.000000e+00 : f32
    %broadcast_in_dim3A_31 = vector.broadcast %broadcast_in_dim3A_30 : f32 to vector<1024x1xf32>
    %concatenate3A_32 = tpu.concatenate %mul3A_29, %broadcast_in_dim3A_31 in 1 : vector<1024x16xf32>, vector<1024x1xf32> -> vector<1024x17xf32>
    %dot_general3A = arith.constant dense<0.000000e+00> : vector<1024x2048xf32>
    %dot_general3A_33 = tpu.matmul %concatenate3A_32, %concatenate3A, %dot_general3A {dimension_numbers = #tpu.dot_dimension_numbers<[1], [1], [0], [0], [0, 0, 1, 0], [], []>, precision = #tpu.contract_precision<fp32>, transpose_lhs_hint = false} : vector<1024x17xf32>, vector<2048x17xf32>, vector<1024x2048xf32> -> vector<1024x2048xf32>
    %argmin3A = tpu.reduce_index %dot_general3A_33 {axis = 1 : i32, kind = #tpu.reduction_kind<arg_min>} : vector<1024x2048xf32> -> vector<1024xi32>
    %reshape3A = vector.shape_cast %argmin3A : vector<1024xi32> to vector<1024x1xi32>
    %mul3A_34 = arith.constant 2048 : i32
    %mul3A_35 = arith.muli %arg0, %mul3A_34 : i32
    %add3A = vector.broadcast %mul3A_35 : i32 to vector<1024x1xi32>
    %add3A_36 = arith.addi %reshape3A, %add3A : vector<1024x1xi32>
    %transpose3A = tpu.transpose %add3A_36, [1, 0] : vector<1024x1xi32> -> vector<1x1024xi32>
    %swap3A = arith.constant 0 : index
    %swap3A_37 = arith.constant 0 : index
    %swap3A_38 = arith.constant 0 : index
    %swap3A_39 = vector.load %arg8[%swap3A, %swap3A_37, %swap3A_38] : memref<1x1x1024xi32, #tpu.memory_space<vmem>>, vector<1x1x1024xi32>
    %swap3A_40 = vector.shape_cast %swap3A_39 : vector<1x1x1024xi32> to vector<1x1024xi32>
    %swap3A_41 = vector.shape_cast %transpose3A : vector<1x1024xi32> to vector<1x1x1024xi32>
    tpu.vector_store %arg8[%swap3A, %swap3A_37, %swap3A_38], %swap3A_41 {strides = array<i32>} : memref<1x1x1024xi32, #tpu.memory_space<vmem>>, vector<1x1x1024xi32>,
    %mul3A_42 = vector.broadcast %get3A_18 : f32 to vector<1024x16xf32>
    %mul3A_43 = arith.mulf %mul3A_42, %get3A_8 : vector<1024x16xf32>
    %sub3A = arith.constant 1.000000e+00 : f32
    %sub3A_44 = arith.subf %sub3A, %get3A_18 : f32
    %mul3A_45 = vector.broadcast %sub3A_44 : f32 to vector<1024x16xf32>
    %mul3A_46 = arith.mulf %mul3A_45, %select_n3A : vector<1024x16xf32>
    %add3A_47 = arith.addf %mul3A_43, %mul3A_46 : vector<1024x16xf32>
    %gt3A_48 = arith.constant 5.000000e-01 : f32
    %gt3A_49 = vector.broadcast %gt3A_48 : f32 to vector<1x16xf32>
    %gt3A_50 = arith.cmpf ogt, %get3A_21, %gt3A_49 : vector<1x16xf32>
    %broadcast_in_dim3A_51 = vector.shape_cast %gt3A_50 : vector<1x16xi1> to vector<1x16xi1>
    %broadcast_in_dim3A_52 = vector.broadcast %broadcast_in_dim3A_51 : vector<1x16xi1> to vector<1024x16xi1>
    %select_n3A_53 = arith.select %broadcast_in_dim3A_52, %get3A_8, %add3A_47 : vector<1024x16xi1>, vector<1024x16xf32>
    %sub3A_54 = arith.subf %get3A_8, %select_n3A : vector<1024x16xf32>
    %concatenate3A_55 = tpu.concatenate %select_n3A_53, %sub3A_54 in 1 : vector<1024x16xf32>, vector<1024x16xf32> -> vector<1024x32xf32>
    %swap3A_56 = arith.constant 0 : index
    %swap3A_57 = arith.constant 0 : index
    %swap3A_58 = arith.constant 0 : index
    %swap3A_59 = vector.load %arg7[%swap3A_56, %swap3A_57, %swap3A_58] : memref<1x1024x32xf32, #tpu.memory_space<vmem>>, vector<1x1024x32xf32>
    %swap3A_60 = vector.shape_cast %swap3A_59 : vector<1x1024x32xf32> to vector<1024x32xf32>
    %swap3A_61 = vector.shape_cast %concatenate3A_55 : vector<1024x32xf32> to vector<1x1024x32xf32>
    tpu.vector_store %arg7[%swap3A_56, %swap3A_57, %swap3A_58], %swap3A_61 {strides = array<i32>} : memref<1x1024x32xf32, #tpu.memory_space<vmem>>, vector<1x1024x32xf32>,
    return
  }
  func.func @transform_0(%arg0: i32, %arg1: i32) -> (i32, i32, i32) {
    %c0_i32 = arith.constant 0 : i32
    %c0_i32_0 = arith.constant 0 : i32
    return %arg0, %arg1, %c0_i32 : i32, i32, i32
  }
  func.func @transform_1(%arg0: i32, %arg1: i32) -> (i32, i32, i32) {
    %c0_i32 = arith.constant 0 : i32
    %c0_i32_0 = arith.constant 0 : i32
    return %arg0, %arg1, %c0_i32 : i32, i32, i32
  }
  func.func @transform_2(%arg0: i32, %arg1: i32) -> (i32, i32, i32) {
    %c0_i32 = arith.constant 0 : i32
    %c0_i32_0 = arith.constant 0 : i32
    %c0_i32_1 = arith.constant 0 : i32
    return %arg0, %c0_i32, %c0_i32_0 : i32, i32, i32
  }
  func.func @transform_3(%arg0: i32, %arg1: i32) -> (i32, i32, i32) {
    %c0_i32 = arith.constant 0 : i32
    %c0_i32_0 = arith.constant 0 : i32
    %c0_i32_1 = arith.constant 0 : i32
    return %arg0, %c0_i32, %c0_i32_0 : i32, i32, i32
  }
  func.func @transform_4(%arg0: i32, %arg1: i32) -> (i32, i32) {
    %c0_i32 = arith.constant 0 : i32
    %c0_i32_0 = arith.constant 0 : i32
    %c0_i32_1 = arith.constant 0 : i32
    return %c0_i32, %c0_i32_0 : i32, i32
  }
  func.func @transform_5(%arg0: i32, %arg1: i32) -> (i32, i32, i32) {
    %c0_i32 = arith.constant 0 : i32
    %c0_i32_0 = arith.constant 0 : i32
    return %arg0, %arg1, %c0_i32 : i32, i32, i32
  }
  func.func @transform_6(%arg0: i32, %arg1: i32) -> (i32, i32, i32) {
    %c0_i32 = arith.constant 0 : i32
    %c0_i32_0 = arith.constant 0 : i32
    return %arg0, %c0_i32, %arg1 : i32, i32, i32
  }
}

</mosaic_0001>

<sc_bundles>
// kernel: kernel.4.cloned.1.call-start
scs
__scs_entry_jumppad:
0x0: {  	(pc) =	sbr.rel $0x88, $3  }
0x1: {  	(tag) =	ssettag $0x0;
	lr =	simm.s32 $0x1  }
0x2: {  	[smem:$0x3F9D] =	sst lr;
	_ =	strace $0xD0000000  }
0x3: {  	_ = 	snop  }
0x4: {  	_ = 	snop  }
0x5: {  	_ = 	snop  }
0x6: {  	_ = 	snop  }
0x7: {  	_ = 	snop  }
__scs_overlays_trampoline_lowered:
0x8: {  	[smem:$0x3FAC] =	sst s0  }
0x9: {  	[smem:$0x3FAD] =	sst s1  }
0xa: {  	[smem:$0x3FAE] =	sst s2  }
0xb: {  	[smem:$0x3FAF] =	sst s3  }
0xc: {  	[smem:$0x3FB0] =	sst s4  }
0xd: {  	[smem:$0x3FB1] =	sst s5  }
0xe: {  	[smem:$0x3FB2] =	sst s6  }
0xf: {  	[smem:$0x3FB3] =	sst s7  }
0x10: {  	[smem:$0x3FB4] =	sst s8  }
0x11: {  	[smem:$0x3FB5] =	sst s9;
	s0 =	simm.s32 @!p0 $0x0  }
0x12: {  	s1 =	sld [smem:$0x3F9B];
	s0 =	simm.s32 @p0 $0x1  }
0x13: {  	[smem:$0x3FB6] =	sst s0;
	s0 =	simm.s32 @!p1 $0x0  }
0x14: {  	s2 =	sld [smem:$0x3F9A];
	s0 =	simm.s32 @p1 $0x1  }
0x15: {  	[smem:$0x3FB7] =	sst s0;
	s0 =	simm.s32 @!p2 $0x0  }
0x16: {  	s3 =	sld [smem:$0x3FDB];
	s0 =	simm.s32 @p2 $0x1  }
0x17: {  	s4 =	simm.s32 $0x1BF5;
	[smem:$0x3FB9] =	sst s0  }
0x18: {  	s0 =	sld [smem:$0x3F9C];
	_ =	swait.ge [sflag:s4], $0x0  }
0x19: {  	s7 =	sld [smem:$0x3F9D]  }
0x1a: {  	s8 =	sadd.s32 $0xFFFFE003, lr  }
0x1b: {  	s9 =	sadd.s32 $0xFFFFFEF7, lr;
	s5 =	simm.s32 $0xFFFFFFFF;
	p2 =	slt.u32 s8, $0xFFFFF086  }
0x1c: {  	p1 =	slt.u32 s9, $0xF7A;
	s5 =	simm.s32 @!p2 $0x0  }
0x1d: {  	s5 =	simm.s32 @p1 $0x1;
	p0 =	seq.s32 s7, s2  }
0x1e: {  	s7 =	smul.u32 @!p0 $0xF7A, s2;
	p2 =	seq.s32 @!p0 s5, $0x0  }
0x1f: {  	s9 =	smul.u32 $0xF7A, s1;
	s8 =	simm.s32 @!p0 $0x1BF5;
	p2 =	por !p2, p0  }
0x20: {  	[sflag:s8] =	ssyncset.s32 @!p0 $0xFFFFF086;
	s6 =	sadd.s32 @!p0 s3, s7;
	s7 =	simm.s32 @!p0 $0x108  }
0x21: {  	s3 =	sadd.s32 s3, s9;
	s6 =	sadd.s32 @!p0 $0x88, s6;
	s7 =	simm.s32 @p2 $0x1082  }
0x22: {  	[simem:s7], [sflag:s8] =	dma.local @!p0 [hbm:s6], $0xF7A  }
0x23: {  	s9 =	sor.u32 $0xD0000000, s2;
	s6 =	simm.s32 $0x108;
	_ =	swait.ge @!p0 [sflag:s8], $0x0  }
0x24: {  	s3 =	sadd.s32 $0x88, s3;
	s6 =	simm.s32 @!p1 $0x1082;
	[sflag:s4] =	ssyncset.s32 $0xFFFFF086  }
0x25: {  	[simem:s6], [sflag:s4] =	dma.local [hbm:s3], $0xF7A  }
0x26: {  	[smem:$0x3F9D] =	sst s1;
	(tag) =	ssettag s2;
	_ =	strace s9  }
0x27: {  	s1 =	sld [smem:$0x3FAD]  }
0x28: {  	s2 =	sld [smem:$0x3FAE]  }
0x29: {  	s4 =	sld [smem:$0x3FB0]  }
0x2a: {  	p0 =	seq.s32 s5, $0x0;
	s5 =	sld [smem:$0x3FB1]  }
0x2b: {  	s6 =	sld [smem:$0x3FB2]  }
0x2c: {  	s7 =	sld [smem:$0x3FB3]  }
0x2d: {  	s3 =	simm.s32 $0x108;
	s8 =	sld [smem:$0x3FB4]  }
0x2e: {  	s3 =	simm.s32 @!p0 $0x1082;
	s9 =	sld [smem:$0x3FB5]  }
0x2f: {  	lr =	sadd.s32 s0, s3;
	s0 =	sld [smem:$0x3FAC]  }
0x30: {  	s3 =	sld [smem:$0x3FAF]  }
0x31: {  	[smem:$0x3FB8] =	sst s10  }
0x32: {  	s10 =	sld [smem:$0x3FB6];
	_ =	sdelay $0x3  }
0x33: {  	p0 =	seq.s32 s10, $0x1;
	s10 =	sld [smem:$0x3FB8];
	_ =	sdelay $0x3  }
0x34: {  	[smem:$0x3FB8] =	sst s10  }
0x35: {  	s10 =	sld [smem:$0x3FB7];
	_ =	sdelay $0x3  }
0x36: {  	p1 =	seq.s32 s10, $0x1;
	s10 =	sld [smem:$0x3FB8];
	_ =	sdelay $0x3  }
0x37: {  	[smem:$0x3FB8] =	sst s10  }
0x38: {  	s10 =	sld [smem:$0x3FB9]  }
0x39: {  	_ = 	snop;
	(pc) =	sbr.ind lr, $3  }
0x3a: {  	_ = 	snop  }
0x3b: {  	_ = 	snop  }
0x3c: {  	p2 =	seq.s32 s10, $0x1;
	s10 =	sld [smem:$0x3FB8]  }
0x3d: {  	_ =	shalt  }
0x3e: {  	_ =	shalt  }
0x3f: {  	_ =	shalt  }
0x40: {  	_ =	shalt  }
0x41: {  	_ =	shalt  }
0x42: {  	_ =	shalt  }
0x43: {  	_ =	shalt  }
0x44: {  	_ =	shalt  }
0x45: {  	_ =	shalt  }
0x46: {  	_ =	shalt  }
0x47: {  	_ =	shalt  }
0x48: {  	_ =	shalt  }
0x49: {  	_ =	shalt  }
0x4a: {  	_ =	shalt  }
0x4b: {  	_ =	shalt  }
0x4c: {  	_ =	shalt  }
0x4d: {  	_ =	shalt  }
0x4e: {  	_ =	shalt  }
0x4f: {  	_ =	shalt  }
0x50: {  	_ =	shalt  }
0x51: {  	_ =	shalt  }
0x52: {  	_ =	shalt  }
0x53: {  	_ =	shalt  }
0x54: {  	_ =	shalt  }
0x55: {  	_ =	shalt  }
0x56: {  	_ =	shalt  }
0x57: {  	_ =	shalt  }
0x58: {  	_ =	shalt  }
0x59: {  	_ =	shalt  }
0x5a: {  	_ =	shalt  }
0x5b: {  	_ =	shalt  }
0x5c: {  	_ =	shalt  }
0x5d: {  	_ =	shalt  }
0x5e: {  	_ =	shalt  }
0x5f: {  	_ =	shalt  }
0x60: {  	_ =	shalt  }
0x61: {  	_ =	shalt  }
0x62: {  	_ =	shalt  }
0x63: {  	_ =	shalt  }
0x64: {  	_ =	shalt  }
0x65: {  	_ =	shalt  }
0x66: {  	_ =	shalt  }
0x67: {  	_ =	shalt  }
0x68: {  	_ =	shalt  }
0x69: {  	_ =	shalt  }
0x6a: {  	_ =	shalt  }
0x6b: {  	_ =	shalt  }
0x6c: {  	_ =	shalt  }
0x6d: {  	_ =	shalt  }
0x6e: {  	_ =	shalt  }
0x6f: {  	_ =	shalt  }
0x70: {  	_ =	shalt  }
0x71: {  	_ =	shalt  }
0x72: {  	_ =	shalt  }
0x73: {  	_ =	shalt  }
0x74: {  	_ =	shalt  }
0x75: {  	_ =	shalt  }
0x76: {  	_ =	shalt  }
0x77: {  	_ =	shalt  }
0x78: {  	_ =	shalt  }
0x79: {  	_ =	shalt  }
0x7a: {  	_ =	shalt  }
0x7b: {  	_ =	shalt  }
0x7c: {  	_ =	shalt  }
0x7d: {  	_ =	shalt  }
0x7e: {  	_ =	shalt  }
0x7f: {  	_ =	shalt  }
0x80: {  	_ =	shalt  }
0x81: {  	_ =	shalt  }
0x82: {  	_ =	shalt  }
0x83: {  	_ =	shalt  }
0x84: {  	_ =	shalt  }
0x85: {  	_ =	shalt  }
0x86: {  	_ =	shalt  }
0x87: {  	_ =	shalt  }
.Lfunc_end0:
.L_simem_size_0:
called_computation_lowered:
.L_overlay_start_0:
0x88: {  	s2 =	sld [smem:$0x3FD9]  }
0x89: {  	s3 =	sld [smem:$0x3FFE];
	_ =	sdelay $0x1  }
0x8a: {  	s1 =	srdreg.scid  }
0x8b: {  	s0 =	sand.u32 $0x1, s1  }
0x8c: {  	s17 =	sshll.u32 s0, $0xA;
	s2 =	sadd.s32 s3, s2  }
0x8d: {  	s2 =	sadd.s32 s2, s17  }
0x8e: {  	[smem:$0x3FC4] =	sst s2  }
0x8f: {  	_ = 	snop  }
0x90: {  	s2 =	sld [smem:$0x3FD0];
	(tm) =	ssettm $0x1  }
0x91: {  	s18 =	sld [smem:$0x3FFB];
	_ =	sdelay $0x3  }
0x92: {  	_ =	strace s18  }
0x93: {  	s3 =	sld [smem:$0x3FFC];
	_ =	sdelay $0x3  }
0x94: {  	_ =	strace s3  }
0x95: {  	s3 =	sld [smem:$0x3FFD];
	_ =	sdelay $0x3  }
0x96: {  	_ =	strace s3  }
0x97: {  	_ =	strace $0x8FFFFFFF  }
0x98: {  	s19 =	sld [smem:$0x3FDB];
	_ =	sdelay $0x1  }
0x99: {  	s4 =	simm.s32 $_scs_section_size  }
0x9a: {  	s5 =	simm.s32 $_size__tile_overlayer_lowered;
	s6 =	simm.s32 $_tile_overlayer_lowered  }
0x9b: {  	s22 =	simm.s32 $0x1BFF;
	s21 =	sshll.u32 s6, $0x1;
	s3 =	sadd.s32 s4, s19  }
0x9c: {  	s7 =	simm.s32 $0x0;
	s20 =	sshll.u32 s5, $0x1;
	s5 =	sadd.s32 s21, s3  }
0x9d: {  	[timem:s7], [sflag:s22] =	dma.local [hbm:s5], s20  }
0x9e: {  	_ =	swait.ge [sflag:s22], s20  }
0x9f: {  	s4 =	ssub.s32 $0x0, s20;
	[sflag:s22] =	ssyncset.done $0x0  }
0xa0: {  	[sflag:s22] =	ssyncadd.s32 s4;
	_ =	sdelay $0x1  }
0xa1: {  	s23 =	simm.s32 $0x1B8B  }
0xa2: {  	_ =	swait.ge [sflag:s23], $0x1  }
0xa3: {  	[sflag:s23] =	ssyncset.done $0x0  }
0xa4: {  	s25 =	simm.s32 $0x1B8E;
	s24 =	sld [smem:$0x3FFE];
	[sflag:s23] =	ssyncadd.s32 $0xFFFFFFFF  }
0xa5: {  	s26 =	simm.s32 $execute0_lowered;
	[smem:$0x3FD2] =	sst s25  }
0xa6: {  	s5 =	sshll.u32 s26, $0x1;
	_ =	strace $0x80000046;
	[dreg:$0x1] =	wrdreg $0xFFFFFFFF  }
0xa7: {  	s28 =	simm.s32 $_size_execute0_lowered;
	s3 =	sadd.s32 s3, s5;
	[dreg:$0x0] =	wrdreg $0x0  }
0xa8: {  	s5 =	sshll.u32 s28, $0x1;
	[dreg:$0x2] =	wrdreg s3  }
0xa9: {  	[dreg:$0x3] =	wrdreg s5  }
0xaa: {  	[dreg:$0x4] =	wrdreg $0xC0  }
0xab: {  	_ =	task [dreg:s7], $0x5FFFF  }
0xac: {  	[dreg:$0x1] =	wrdreg $0xFFFFFFFF  }
0xad: {  	[dreg:$0x0] =	wrdreg $0x60  }
0xae: {  	[dreg:$0x2] =	wrdreg s2  }
0xaf: {  	[dreg:$0x3] =	wrdreg s24  }
0xb0: {  	[dreg:$0x4] =	wrdreg $0x9  }
0xb1: {  	_ =	task.clear_ibuf [dreg:s7], $0x5FFFF;
	_ =	strace $0x90000046  }
0xb2: {  	s29 =	simm.s32 $0x9;
	_ =	strace $0x80000048  }
0xb3: {  	_ =	swait.ge [sflag:s29], $0x1  }
0xb4: {  	[sflag:s29] =	ssyncadd.s32 $0xFFFFFFFF  }
0xb5: {  	_ =	strace $0x90000048  }
0xb6: {  	_ =	sfence  }
0xb7: {  	s30 =	sld [smem:$0x0];
	_ =	sdelay $0x2  }
0xb8: {  	s31 =	sshll.u32 s1, $0xD;
	s1 =	sshrl.u32 s1, $0x2  }
0xb9: {  	s3 =	sand.u32 $0x4000, s31;
	s1 =	sadd.s32 s1, s30  }
0xba: {  	s0 =	sor.u32 s3, s0;
	s1 =	sshll.u32 s1, $0x11  }
0xbb: {  	s0 =	sor.u32 s1, s0  }
0xbc: {  	s0 =	sadd.s32 $0x8F2B, s0  }
0xbd: {  	[sflag:s0] =	ssyncadd.remote.s32 $0x1  }
0xbe: {  	_ =	sfence.sel $0xFFFF  }
0xbf: {  	[dreg:$0x0] =	wrdreg $0xFFFFFFFF;
	(pc) =	sbr.abs _section_cstart, $3  }
0xc0: {  	[dreg:$0x1] =	wrdreg $0xFFFFFFFF  }
0xc1: {  	_ =	task.clear_ibuf [dreg:s7], $0x2FFFF;
	_ =	strace $0x9FFFFFFF  }
0xc2: {  	(tm) =	ssettm $0x7FFFFFFF  }
0xc3: {  	_ =	shalt  }
tec
execute0_lowered:
.L_overlay_start_1:
0x0: {  	(tag) =	ssettag $0x1  }
0x1: {  	s0 =	stileid.u32  }
0x2: {  	s1 =	srdreg.scid;
	s2 =	rddreg [dreg:$0x0]  }
0x3: {  	s8 =	rddreg [dreg:$0x1];
	s6 =	sand.u32 $0x1, s1;
	s30 =	sshll.u32 s0, $0x1  }
0x4: {  	s7 =	simm.s32 $0x1;
	s3 =	sshll.u32 s0, $0x6;
	s9 =	sor.u32 s6, s30  }
0x5: {  	s1 =	rddreg [dreg:$0x2];
	s4 =	sand.u32 $0x300, s3;
	s5 =	sshll.u32 s9, $0x5  }
0x6: {  	s3 =	simm.s32 $0x0;
	s4 =	sadd.s32 s4, s8;
	s5 =	sand.u32 $0xE0, s5  }
0x7: {  	s10 =	ssub.s32 $0x2, s6;
	[smem:$0x7FF] =	sst s3;
	s4 =	sadd.s32 s5, s4  }
0x8: {  	_ =	strace $0x80000047;
	s5 =	sadd.s32 $0xE00, s4;
	s4 =	simm.s32 $0x2  }
0x9: {  	[tilespmem:s3], [sflag:$0x2] =	stream.linear.gather [hbm4b:s5+s3], $0x100, $0x38;
	[tilespmem:$0x1100] =	vst v63  }
0xa: {  	s6 =	simm.s32 $0x100;
	s11 =	sshrl.u32 s10, $0x1;
	_ =	swait.ge [sflag:s4], $0x100  }
0xb: {  	s9 =	sshll.u32 s9, $0x9;
	s31 =	ssub.s32 s10, s11;
	[sflag:s4] =	ssyncset.done $0x0  }
0xc: {  	s8 =	sadd.s32 s9, s8;
	s9 =	smax.u32 s31, $0x1;
	[sflag:s4] =	ssyncadd.s32 $0xFFFFFF00  }
0xd: {  	[tilespmem:s6], [sflag:$0x1] =	stream.indirect.gather [hbm4b:s2+s6], $0x10, s3, s6, $0xb8;
	[tilespmem:$0x1100] =	vst v63  }
0xe: {  	p0 =	sne.s32 s9, $0x1;
	_ =	swait.ge [sflag:s7], $0x1000  }
.Ltmp0:
0xf: {  	[sflag:s7] =	ssyncset.done $0x0;
	(pc) =	sbr.rel @!p0 .LBB2_2-.Ltmp0, $4  }
0x10: {  	s8 =	sadd.s32 $0x1200, s8;
	[sflag:s7] =	ssyncadd.s32 $0xFFFFF000  }
0x11: {  	[hbm4b:s8+s3] =	stream.linear.scatter [tilespmem:s6], [sflag:$0x2], $0x1000, $0x38;
	[tilespmem:$0x1100] =	vst v63  }
0x12: {  	_ =	swait.ge [sflag:s4], $0x1000  }
0x13: {  	s9 =	sadd.s32 $0xFFFFFFFF, s9;
	[sflag:s4] =	ssyncset.done $0x0  }
.LBB2_1:
0x14: {  	p0 =	sne.s32 s9, $0x1;
	s9 =	sadd.s32 $0xFFFFFFFF, s9;
	[sflag:s4] =	ssyncadd.s32 $0xFFFFF000  }
0x15: {  	[tilespmem:s3], [sflag:$0x2] =	stream.linear.gather [hbm4b:s5+s3], $0x100, $0x38;
	[tilespmem:$0x1100] =	vst v63  }
0x16: {  	_ =	swait.ge [sflag:s4], $0x100  }
0x17: {  	[sflag:s4] =	ssyncset.done $0x0  }
0x18: {  	[sflag:s4] =	ssyncadd.s32 $0xFFFFFF00  }
0x19: {  	[tilespmem:s6], [sflag:$0x1] =	stream.indirect.gather [hbm4b:s2+s6], $0x10, s3, s6, $0xb8;
	[tilespmem:$0x1100] =	vst v63  }
0x1a: {  	_ =	swait.ge [sflag:s7], $0x1000  }
.Ltmp1:
0x1b: {  	[sflag:s7] =	ssyncset.done $0x0;
	(pc) =	sbr.rel @p0 .LBB2_1-.Ltmp1, $4  }
0x1c: {  	[sflag:s7] =	ssyncadd.s32 $0xFFFFF000  }
0x1d: {  	[hbm4b:s8+s3] =	stream.linear.scatter [tilespmem:s6], [sflag:$0x2], $0x1000, $0x38;
	[tilespmem:$0x1100] =	vst v63  }
0x1e: {  	_ =	swait.ge [sflag:s4], $0x1000  }
0x1f: {  	[sflag:s4] =	ssyncset.done $0x0  }
.LBB2_2:
0x20: {  	[sflag:s4] =	ssyncadd.s32 $0xFFFFF000  }
0x21: {  	_ =	sfence.sel $0x180000  }
0x22: {  	[bflag:$0x0] =	sbarrier.arrive $0xFFFF  }
0x23: {  	p0 =	sne.s32 s0, $0x0;
	_ =	strace $0x90000047  }
0x24: {  	s0 =	sadd.s32 @!p0 $0x100000, s1;
	[bflag:$0x2] =	sbarrier.arrive $0xFFFF  }
0x25: {  	[sflag:s0] =	ssyncadd.tile.s32 @!p0 $0x1;
	_ =	shalt  }
.Lfunc_end2:
_tile_overlayer_lowered:
.L_overlay_start_2:
0x26: {  	(tag) =	ssettag $0x2  }
0x27: {  	s0 =	rddreg [dreg:$0x0];
	s2 =	stileid.u32  }
0x28: {  	s1 =	rddreg [dreg:$0x1];
	p0 =	sne.s32 s2, $0x0  }
0x29: {  	s3 =	rddreg [dreg:$0x2];
	[bflag:$0x3] =	sbarrier.arrive $0xFFFF;
	s2 =	simm.s32 @!p0 $0x1C02  }
0x2a: {  	[timem:s3], [sflag:s2] =	dma.local @!p0 [hbm:s0], s1  }
0x2b: {  	s0 =	simm.s32 @!p0 $0x2  }
0x2c: {  	_ =	swait.ge @!p0 [sflag:s0], s1  }
0x2d: {  	s1 =	ssub.s32 @!p0 $0x0, s1;
	[sflag:s0] =	ssyncset.done @!p0 $0x0  }
0x2e: {  	[sflag:s0] =	ssyncadd.s32 @!p0 s1  }
0x2f: {  	[bflag:$0x3] =	sbarrier.arrive $0xFFFF  }
0x30: {  	_ =	shalt  }

</sc_bundles>
